<compile_context>
chip_gen: v7x
topology: tpu7x:2x2x1
jax: 0.10.2.dev20260603
libtpu: 0.0.44.dev20260713+nightly
codegen_flags: <defaults>
</compile_context>

<pallas_src>
import functools

import jax
import jax.numpy as jnp
from jax import lax
from jax.experimental import pallas as pl
from jax.experimental.pallas import tpu as pltpu
from jax.experimental.pallas import tpu_sc as plsc

GRID_N = 16384
INPUT_DIM = 512
OUTPUT_DIM = 100
BATCH = 1024

N_CHUNK = 2048
C_PAD = 128


def _bmu_body(x_ref, w_ref, bmu_ref, minval_ref, minarg_ref):
    j = pl.program_id(0)

    @pl.when(j == 0)
    def _init():
        minval_ref[...] = jnp.full_like(minval_ref, jnp.inf)
        minarg_ref[...] = jnp.zeros_like(minarg_ref)

    xb = x_ref[...]
    wb = w_ref[...]
    w2 = jnp.sum(wb * wb, axis=1, keepdims=True)
    wx = lax.dot_general(wb, xb, (((1,), (1,)), ((), ())),
                         preferred_element_type=jnp.float32)
    scores = w2 - 2.0 * wx
    local_min = jnp.min(scores, axis=0, keepdims=True)
    row = lax.broadcasted_iota(jnp.int32, scores.shape, 0) + j * N_CHUNK
    local_arg = jnp.min(
        jnp.where(scores == local_min, row, jnp.int32(2**30)),
        axis=0, keepdims=True)
    better = local_min < minval_ref[...]
    minval_ref[...] = jnp.where(better, local_min, minval_ref[...])
    minarg_ref[...] = jnp.where(better, local_arg, minarg_ref[...])

    @pl.when(j == pl.num_programs(0) - 1)
    def _emit():
        bmu_ref[...] = minarg_ref[...]


def _bmu(x, weights, *, interpret=False):
    nb = GRID_N // N_CHUNK
    return pl.pallas_call(
        _bmu_body,
        grid=(nb,),
        in_specs=[
            pl.BlockSpec((BATCH, INPUT_DIM), lambda j: (0, 0)),
            pl.BlockSpec((N_CHUNK, INPUT_DIM), lambda j: (j, 0)),
        ],
        out_specs=pl.BlockSpec((1, BATCH), lambda j: (0, 0)),
        out_shape=jax.ShapeDtypeStruct((1, BATCH), jnp.int32),
        scratch_shapes=[
            pltpu.VMEM((1, BATCH), jnp.float32),
            pltpu.VMEM((1, BATCH), jnp.int32),
        ],
        interpret=interpret,
    )(x, weights)


def _make_sc_gather():
    info = plsc.get_sparse_core_info()
    nc, ns = info.num_cores, info.num_subcores
    nw = nc * ns
    b_per_w = BATCH // nw
    mesh = plsc.VectorSubcoreMesh(core_axis_name="c", subcore_axis_name="s")
    nchunk = C_PAD // 16

    @functools.partial(
        pl.kernel,
        mesh=mesh,
        out_type=jax.ShapeDtypeStruct((BATCH, C_PAD), jnp.float32),
        scratch_types=[
            pltpu.VMEM((b_per_w,), jnp.int32),
            pltpu.VMEM((b_per_w, C_PAD), jnp.float32),
            pltpu.SemaphoreType.DMA,
        ],
        compiler_params=pltpu.CompilerParams(needs_layout_passes=False),
    )
    def gather_k(labels_hbm, idx_hbm, out_hbm, idx_v, rows_v, sem):
        wid = lax.axis_index("s") * nc + lax.axis_index("c")
        base = wid * b_per_w
        pltpu.sync_copy(idx_hbm.at[pl.ds(base, b_per_w)], idx_v)
        pltpu.async_copy(labels_hbm.at[idx_v], rows_v, sem).wait()

        def srow(i, carry):
            v = [rows_v[i, pl.ds(16 * k, 16)] for k in range(nchunk)]
            t = v[0]
            for k in range(1, nchunk):
                t = jnp.maximum(t, v[k])
            m = jnp.max(t)
            e = [jnp.exp(vk - m) for vk in v]
            t = e[0]
            for k in range(1, nchunk):
                t = t + e[k]
            s = jnp.broadcast_to(jnp.sum(t), (16,))
            for k in range(nchunk):
                rows_v[i, pl.ds(16 * k, 16)] = e[k] / s
            return carry

        lax.fori_loop(0, b_per_w, srow, 0)
        pltpu.sync_copy(rows_v, out_hbm.at[pl.ds(base, b_per_w)])

    return gather_k


def kernel(x, weights, labels):
    bmu = _bmu(x, weights)[0, :]
    labels_p = jnp.concatenate(
        [labels, jnp.full((GRID_N, C_PAD - OUTPUT_DIM), -1e30, jnp.float32)],
        axis=1)
    out_p = _make_sc_gather()(labels_p, bmu)
    return out_p[:, :OUTPUT_DIM]

# --- scband reference (transcript-rebuilt; emitter-appended) ---
"""Pipeline reference for scband-growing-sat-som-41953240547697 (READ-ONLY COPY).

The authoritative reference and input builder live on the scoring server;
editing this copy changes nothing except your own understanding.
"""

import jax, jax.numpy as jnp
import numpy as np

GRID_H, GRID_W = 128, 128
INPUT_DIM = 512
OUTPUT_DIM = 100
BATCH = 1024


def setup_inputs(seed: int = 0) -> dict:
    key = jax.random.key(seed)
    k1, k2, k3 = jax.random.split(key, 3)
    N = GRID_H * GRID_W
    x = jax.random.normal(k1, (BATCH, INPUT_DIM), dtype=jnp.float32)
    weights = jax.random.normal(k2, (N, INPUT_DIM), dtype=jnp.float32)
    labels = jax.random.uniform(k3, (N, OUTPUT_DIM), dtype=jnp.float32)
    return {"x": x, "weights": weights, "labels": labels}


def reference(x, weights, labels):
    # SatSOM forward: find best-matching unit (BMU) per input via squared
    # Euclidean distance to all neuron weight vectors, then read out that
    # neuron's (normalized) label distribution.
    x2 = jnp.sum(x * x, axis=1, keepdims=True)          # [B, 1]
    w2 = jnp.sum(weights * weights, axis=1)             # [N]
    d2 = x2 - 2.0 * (x @ weights.T) + w2[None, :]       # [B, N]
    bmu = jnp.argmin(d2, axis=1)                        # [B] int
    out = jnp.take(labels, bmu, axis=0)                 # gather: [B, C]
    return jax.nn.softmax(out, axis=-1)

if __name__ == "__main__":
    import jax
    _d = setup_inputs()
    print(jax.jit(kernel)(*tuple(_d.values())))

</pallas_src>

<mosaic_0001>
#map = affine_map<(d0, d1) -> (0, 0)>
#map1 = affine_map<(d0, d1) -> (0)>
module attributes {stable_mosaic.version = 14 : i64} {
  func.func @gather_k(%arg0: i32, %arg1: i32, %arg2: memref<16384x128xf32, #tpu.memory_space<hbm>>, %arg3: memref<1024xi32, #tpu.memory_space<hbm>>, %arg4: memref<1024x128xf32, #tpu.memory_space<hbm>>, %arg5: memref<32xi32, #tpu.memory_space<vmem>>, %arg6: memref<32x128xf32, #tpu.memory_space<vmem>>, %arg7: memref<!tpu.dma_semaphore, #tpu.memory_space<semaphore_mem>>) attributes {dimension_semantics = [#tpu.dimension_semantics<core_parallel>, #tpu.dimension_semantics<subcore_parallel>], iteration_bounds = array<i64: 2, 16>, scalar_prefetch = 0 : i64, scratch_operands = 3 : i64, tpu.core_type = #tpu.core_type<sc_vector_subcore>, window_params = [{transform_indices = #map}, {transform_indices = #map1}, {transform_indices = #map}]} {
    %mul3A = arith.constant 2 : i32
    %mul3A_0 = arith.muli %arg1, %mul3A : i32
    %add3A = arith.addi %mul3A_0, %arg0 : i32
    %mul3A_1 = arith.constant 32 : i32
    %mul3A_2 = arith.muli %add3A, %mul3A_1 : i32
    "tpu.region"() ({
      %run_scoped3A = tpu.sem_alloc : memref<!tpu.dma_semaphore, #tpu.memory_space<semaphore_mem>>
      %dma_start3A_12 = tpu.memref_slice %arg3[%mul3A_2] : memref<1024xi32, #tpu.memory_space<hbm>> -> memref<32xi32, #tpu.memory_space<hbm>>
      %dma_start3A_13 = tpu.memref_slice %arg3[%mul3A_2] : memref<1024xi32, #tpu.memory_space<hbm>> -> memref<32xi32, #tpu.memory_space<hbm>>
      tpu.enqueue_dma source(%dma_start3A_13 : memref<32xi32, #tpu.memory_space<hbm>>) target(%arg5 : memref<32xi32, #tpu.memory_space<vmem>>) target_semaphore(%run_scoped3A : memref<!tpu.dma_semaphore, #tpu.memory_space<semaphore_mem>>)
      %dma_wait3A_14 = tpu.memref_slice %arg3[%mul3A_2] : memref<1024xi32, #tpu.memory_space<hbm>> -> memref<32xi32, #tpu.memory_space<hbm>>
      %dma_wait3A_15 = tpu.memref_slice %arg3[%mul3A_2] : memref<1024xi32, #tpu.memory_space<hbm>> -> memref<32xi32, #tpu.memory_space<hbm>>
      tpu.wait_dma2 semaphore(%run_scoped3A : memref<!tpu.dma_semaphore, #tpu.memory_space<semaphore_mem>>) src(%dma_wait3A_15 : memref<32xi32, #tpu.memory_space<hbm>>) dst(%arg5 : memref<32xi32, #tpu.memory_space<vmem>>)
      tpu.yield
    }) : () -> ()
    %dma_start3A = arith.constant 0 : i32
    %dma_start3A_3 = arith.constant 0 : i32
    %dma_start3A_4 = tpu.memref_slice %arg2[%dma_start3A, %dma_start3A_3] : memref<16384x128xf32, #tpu.memory_space<hbm>> -> memref<16384x128xf32, #tpu.memory_space<hbm>>
    tpu.enqueue_indirect_dma source(%dma_start3A_4 : memref<16384x128xf32, #tpu.memory_space<hbm>>) target(%arg6 : memref<32x128xf32, #tpu.memory_space<vmem>>) offsets(%arg5 : memref<32xi32, #tpu.memory_space<vmem>>) semaphore(%arg7 : memref<!tpu.dma_semaphore, #tpu.memory_space<semaphore_mem>>)
    %dma_wait3A = arith.constant 0 : i32
    %dma_wait3A_5 = arith.constant 0 : i32
    %dma_wait3A_6 = tpu.memref_slice %arg2[%dma_wait3A, %dma_wait3A_5] : memref<16384x128xf32, #tpu.memory_space<hbm>> -> memref<16384x128xf32, #tpu.memory_space<hbm>>
    tpu.wait_indirect_dma semaphore(%arg7 : memref<!tpu.dma_semaphore, #tpu.memory_space<semaphore_mem>>) src(%dma_wait3A_6 : memref<16384x128xf32, #tpu.memory_space<hbm>>) dst(%arg6 : memref<32x128xf32, #tpu.memory_space<vmem>>)
    %scan3A = arith.constant 0 : i32
    %scan3A_7 = arith.constant 0 : i32
    %scan3A_8 = arith.constant 32 : i32
    %scan3A_9 = arith.addi %scan3A_7, %scan3A_8 : i32
    %scan3A_10 = arith.constant 1 : i32
    scf.for %scan3A_12 = %scan3A_7 to %scan3A_9 step %scan3A_10  : i32 {
      %get3A = arith.index_cast %scan3A_12 : i32 to index
      %get3A_13 = arith.constant 0 : index
      %get3A_14 = tpu.vector_load %arg6[%get3A, %get3A_13] {strides = array<i32>} : memref<32x128xf32, #tpu.memory_space<vmem>>, vector<16xf32>,
      %get3A_15 = arith.index_cast %scan3A_12 : i32 to index
      %get3A_16 = arith.constant 16 : index
      %get3A_17 = tpu.vector_load %arg6[%get3A_15, %get3A_16] {strides = array<i32>} : memref<32x128xf32, #tpu.memory_space<vmem>>, vector<16xf32>,
      %get3A_18 = arith.index_cast %scan3A_12 : i32 to index
      %get3A_19 = arith.constant 32 : index
      %get3A_20 = tpu.vector_load %arg6[%get3A_18, %get3A_19] {strides = array<i32>} : memref<32x128xf32, #tpu.memory_space<vmem>>, vector<16xf32>,
      %get3A_21 = arith.index_cast %scan3A_12 : i32 to index
      %get3A_22 = arith.constant 48 : index
      %get3A_23 = tpu.vector_load %arg6[%get3A_21, %get3A_22] {strides = array<i32>} : memref<32x128xf32, #tpu.memory_space<vmem>>, vector<16xf32>,
      %get3A_24 = arith.index_cast %scan3A_12 : i32 to index
      %get3A_25 = arith.constant 64 : index
      %get3A_26 = tpu.vector_load %arg6[%get3A_24, %get3A_25] {strides = array<i32>} : memref<32x128xf32, #tpu.memory_space<vmem>>, vector<16xf32>,
      %get3A_27 = arith.index_cast %scan3A_12 : i32 to index
      %get3A_28 = arith.constant 80 : index
      %get3A_29 = tpu.vector_load %arg6[%get3A_27, %get3A_28] {strides = array<i32>} : memref<32x128xf32, #tpu.memory_space<vmem>>, vector<16xf32>,
      %get3A_30 = arith.index_cast %scan3A_12 : i32 to index
      %get3A_31 = arith.constant 96 : index
      %get3A_32 = tpu.vector_load %arg6[%get3A_30, %get3A_31] {strides = array<i32>} : memref<32x128xf32, #tpu.memory_space<vmem>>, vector<16xf32>,
      %get3A_33 = arith.index_cast %scan3A_12 : i32 to index
      %get3A_34 = arith.constant 112 : index
      %get3A_35 = tpu.vector_load %arg6[%get3A_33, %get3A_34] {strides = array<i32>} : memref<32x128xf32, #tpu.memory_space<vmem>>, vector<16xf32>,
      %max3A = arith.maximumf %get3A_14, %get3A_17 : vector<16xf32>
      %max3A_36 = arith.maximumf %max3A, %get3A_20 : vector<16xf32>
      %max3A_37 = arith.maximumf %max3A_36, %get3A_23 : vector<16xf32>
      %max3A_38 = arith.maximumf %max3A_37, %get3A_26 : vector<16xf32>
      %max3A_39 = arith.maximumf %max3A_38, %get3A_29 : vector<16xf32>
      %max3A_40 = arith.maximumf %max3A_39, %get3A_32 : vector<16xf32>
      %max3A_41 = arith.maximumf %max3A_40, %get3A_35 : vector<16xf32>
      %reduce_max3A = arith.constant true
      %reduce_max3A_42 = vector.broadcast %reduce_max3A : i1 to vector<16xi1>
      %reduce_max3A_43 = tpu.scan <max>, %max3A_41 masked %reduce_max3A_42 : vector<16xf32>, vector<16xi1> -> vector<16xf32>
      %reduce_max3A_44 = vector.extract %reduce_max3A_43[15] : f32 from vector<16xf32>
      %sub3A = vector.broadcast %reduce_max3A_44 : f32 to vector<16xf32>
      %sub3A_45 = arith.subf %get3A_14, %sub3A : vector<16xf32>
      %exp3A = math.exp %sub3A_45 : vector<16xf32>
      %sub3A_46 = vector.broadcast %reduce_max3A_44 : f32 to vector<16xf32>
      %sub3A_47 = arith.subf %get3A_17, %sub3A_46 : vector<16xf32>
      %exp3A_48 = math.exp %sub3A_47 : vector<16xf32>
      %sub3A_49 = vector.broadcast %reduce_max3A_44 : f32 to vector<16xf32>
      %sub3A_50 = arith.subf %get3A_20, %sub3A_49 : vector<16xf32>
      %exp3A_51 = math.exp %sub3A_50 : vector<16xf32>
      %sub3A_52 = vector.broadcast %reduce_max3A_44 : f32 to vector<16xf32>
      %sub3A_53 = arith.subf %get3A_23, %sub3A_52 : vector<16xf32>
      %exp3A_54 = math.exp %sub3A_53 : vector<16xf32>
      %sub3A_55 = vector.broadcast %reduce_max3A_44 : f32 to vector<16xf32>
      %sub3A_56 = arith.subf %get3A_26, %sub3A_55 : vector<16xf32>
      %exp3A_57 = math.exp %sub3A_56 : vector<16xf32>
      %sub3A_58 = vector.broadcast %reduce_max3A_44 : f32 to vector<16xf32>
      %sub3A_59 = arith.subf %get3A_29, %sub3A_58 : vector<16xf32>
      %exp3A_60 = math.exp %sub3A_59 : vector<16xf32>
      %sub3A_61 = vector.broadcast %reduce_max3A_44 : f32 to vector<16xf32>
      %sub3A_62 = arith.subf %get3A_32, %sub3A_61 : vector<16xf32>
      %exp3A_63 = math.exp %sub3A_62 : vector<16xf32>
      %sub3A_64 = vector.broadcast %reduce_max3A_44 : f32 to vector<16xf32>
      %sub3A_65 = arith.subf %get3A_35, %sub3A_64 : vector<16xf32>
      %exp3A_66 = math.exp %sub3A_65 : vector<16xf32>
      %add3A_67 = arith.addf %exp3A, %exp3A_48 : vector<16xf32>
      %add3A_68 = arith.addf %add3A_67, %exp3A_51 : vector<16xf32>
      %add3A_69 = arith.addf %add3A_68, %exp3A_54 : vector<16xf32>
      %add3A_70 = arith.addf %add3A_69, %exp3A_57 : vector<16xf32>
      %add3A_71 = arith.addf %add3A_70, %exp3A_60 : vector<16xf32>
      %add3A_72 = arith.addf %add3A_71, %exp3A_63 : vector<16xf32>
      %add3A_73 = arith.addf %add3A_72, %exp3A_66 : vector<16xf32>
      %reduce_sum3A = arith.constant true
      %reduce_sum3A_74 = vector.broadcast %reduce_sum3A : i1 to vector<16xi1>
      %reduce_sum3A_75 = tpu.scan <sum>, %add3A_73 masked %reduce_sum3A_74 : vector<16xf32>, vector<16xi1> -> vector<16xf32>
      %reduce_sum3A_76 = vector.extract %reduce_sum3A_75[15] : f32 from vector<16xf32>
      %broadcast_in_dim3A = vector.broadcast %reduce_sum3A_76 : f32 to vector<16xf32>
      %div3A = arith.divf %exp3A, %broadcast_in_dim3A : vector<16xf32>
      %swap3A = arith.index_cast %scan3A_12 : i32 to index
      %swap3A_77 = arith.constant 0 : index
      %swap3A_78 = tpu.vector_load %arg6[%swap3A, %swap3A_77] {strides = array<i32>} : memref<32x128xf32, #tpu.memory_space<vmem>>, vector<16xf32>,
      tpu.vector_store %arg6[%swap3A, %swap3A_77], %div3A {strides = array<i32>} : memref<32x128xf32, #tpu.memory_space<vmem>>, vector<16xf32>,
      %div3A_79 = arith.divf %exp3A_48, %broadcast_in_dim3A : vector<16xf32>
      %swap3A_80 = arith.index_cast %scan3A_12 : i32 to index
      %swap3A_81 = arith.constant 16 : index
      %swap3A_82 = tpu.vector_load %arg6[%swap3A_80, %swap3A_81] {strides = array<i32>} : memref<32x128xf32, #tpu.memory_space<vmem>>, vector<16xf32>,
      tpu.vector_store %arg6[%swap3A_80, %swap3A_81], %div3A_79 {strides = array<i32>} : memref<32x128xf32, #tpu.memory_space<vmem>>, vector<16xf32>,
      %div3A_83 = arith.divf %exp3A_51, %broadcast_in_dim3A : vector<16xf32>
      %swap3A_84 = arith.index_cast %scan3A_12 : i32 to index
      %swap3A_85 = arith.constant 32 : index
      %swap3A_86 = tpu.vector_load %arg6[%swap3A_84, %swap3A_85] {strides = array<i32>} : memref<32x128xf32, #tpu.memory_space<vmem>>, vector<16xf32>,
      tpu.vector_store %arg6[%swap3A_84, %swap3A_85], %div3A_83 {strides = array<i32>} : memref<32x128xf32, #tpu.memory_space<vmem>>, vector<16xf32>,
      %div3A_87 = arith.divf %exp3A_54, %broadcast_in_dim3A : vector<16xf32>
      %swap3A_88 = arith.index_cast %scan3A_12 : i32 to index
      %swap3A_89 = arith.constant 48 : index
      %swap3A_90 = tpu.vector_load %arg6[%swap3A_88, %swap3A_89] {strides = array<i32>} : memref<32x128xf32, #tpu.memory_space<vmem>>, vector<16xf32>,
      tpu.vector_store %arg6[%swap3A_88, %swap3A_89], %div3A_87 {strides = array<i32>} : memref<32x128xf32, #tpu.memory_space<vmem>>, vector<16xf32>,
      %div3A_91 = arith.divf %exp3A_57, %broadcast_in_dim3A : vector<16xf32>
      %swap3A_92 = arith.index_cast %scan3A_12 : i32 to index
      %swap3A_93 = arith.constant 64 : index
      %swap3A_94 = tpu.vector_load %arg6[%swap3A_92, %swap3A_93] {strides = array<i32>} : memref<32x128xf32, #tpu.memory_space<vmem>>, vector<16xf32>,
      tpu.vector_store %arg6[%swap3A_92, %swap3A_93], %div3A_91 {strides = array<i32>} : memref<32x128xf32, #tpu.memory_space<vmem>>, vector<16xf32>,
      %div3A_95 = arith.divf %exp3A_60, %broadcast_in_dim3A : vector<16xf32>
      %swap3A_96 = arith.index_cast %scan3A_12 : i32 to index
      %swap3A_97 = arith.constant 80 : index
      %swap3A_98 = tpu.vector_load %arg6[%swap3A_96, %swap3A_97] {strides = array<i32>} : memref<32x128xf32, #tpu.memory_space<vmem>>, vector<16xf32>,
      tpu.vector_store %arg6[%swap3A_96, %swap3A_97], %div3A_95 {strides = array<i32>} : memref<32x128xf32, #tpu.memory_space<vmem>>, vector<16xf32>,
      %div3A_99 = arith.divf %exp3A_63, %broadcast_in_dim3A : vector<16xf32>
      %swap3A_100 = arith.index_cast %scan3A_12 : i32 to index
      %swap3A_101 = arith.constant 96 : index
      %swap3A_102 = tpu.vector_load %arg6[%swap3A_100, %swap3A_101] {strides = array<i32>} : memref<32x128xf32, #tpu.memory_space<vmem>>, vector<16xf32>,
      tpu.vector_store %arg6[%swap3A_100, %swap3A_101], %div3A_99 {strides = array<i32>} : memref<32x128xf32, #tpu.memory_space<vmem>>, vector<16xf32>,
      %div3A_103 = arith.divf %exp3A_66, %broadcast_in_dim3A : vector<16xf32>
      %swap3A_104 = arith.index_cast %scan3A_12 : i32 to index
      %swap3A_105 = arith.constant 112 : index
      %swap3A_106 = tpu.vector_load %arg6[%swap3A_104, %swap3A_105] {strides = array<i32>} : memref<32x128xf32, #tpu.memory_space<vmem>>, vector<16xf32>,
      tpu.vector_store %arg6[%swap3A_104, %swap3A_105], %div3A_103 {strides = array<i32>} : memref<32x128xf32, #tpu.memory_space<vmem>>, vector<16xf32>,
    }
    %scan3A_11 = arith.constant 32 : i32
    "tpu.region"() ({
      %run_scoped3A = tpu.sem_alloc : memref<!tpu.dma_semaphore, #tpu.memory_space<semaphore_mem>>
      %dma_start3A_12 = arith.constant 0 : i32
      %dma_start3A_13 = tpu.memref_slice %arg4[%mul3A_2, %dma_start3A_12] : memref<1024x128xf32, #tpu.memory_space<hbm>> -> memref<32x128xf32, #tpu.memory_space<hbm>>
      %dma_start3A_14 = arith.constant 0 : i32
      %dma_start3A_15 = tpu.memref_slice %arg4[%mul3A_2, %dma_start3A_14] : memref<1024x128xf32, #tpu.memory_space<hbm>> -> memref<32x128xf32, #tpu.memory_space<hbm>>
      tpu.enqueue_dma source(%arg6 : memref<32x128xf32, #tpu.memory_space<vmem>>) target(%dma_start3A_15 : memref<32x128xf32, #tpu.memory_space<hbm>>) target_semaphore(%run_scoped3A : memref<!tpu.dma_semaphore, #tpu.memory_space<semaphore_mem>>)
      %dma_wait3A_16 = arith.constant 0 : i32
      %dma_wait3A_17 = tpu.memref_slice %arg4[%mul3A_2, %dma_wait3A_16] : memref<1024x128xf32, #tpu.memory_space<hbm>> -> memref<32x128xf32, #tpu.memory_space<hbm>>
      %dma_wait3A_18 = arith.constant 0 : i32
      %dma_wait3A_19 = tpu.memref_slice %arg4[%mul3A_2, %dma_wait3A_18] : memref<1024x128xf32, #tpu.memory_space<hbm>> -> memref<32x128xf32, #tpu.memory_space<hbm>>
      tpu.wait_dma2 semaphore(%run_scoped3A : memref<!tpu.dma_semaphore, #tpu.memory_space<semaphore_mem>>) src(%arg6 : memref<32x128xf32, #tpu.memory_space<vmem>>) dst(%dma_wait3A_19 : memref<32x128xf32, #tpu.memory_space<hbm>>)
      tpu.yield
    }) : () -> ()
    return
  }
}

module attributes {stable_mosaic.version = 14 : i64} {
  func.func @_bmu_body(%arg0: i32, %arg1: memref<1024x512xf32, #tpu.memory_space<vmem>>, %arg2: memref<2048x512xf32, #tpu.memory_space<vmem>>, %arg3: memref<1x1024xi32, #tpu.memory_space<vmem>>, %arg4: memref<1x1024xf32, #tpu.memory_space<vmem>>, %arg5: memref<1x1024xi32, #tpu.memory_space<vmem>>) attributes {dimension_semantics = [#tpu.dimension_semantics<arbitrary>], iteration_bounds = array<i64: 8>, scalar_prefetch = 0 : i64, scratch_operands = 2 : i64, tpu.core_type = #tpu.core_type<tc>, window_params = [{pipeline_mode = #tpu.pipeline_mode<synchronous>, transform_indices = @transform_0, window_bounds = array<i64: 1024, 512>}, {transform_indices = @transform_1, window_bounds = array<i64: 2048, 512>}, {pipeline_mode = #tpu.pipeline_mode<synchronous>, transform_indices = @transform_2, window_bounds = array<i64: 1, 1024>}]} {
    %eq3A = arith.constant 0 : i32
    %eq3A_0 = arith.cmpi eq, %arg0, %eq3A : i32
    %convert_element_type3A = arith.extui %eq3A_0 : i1 to i32
    %cond3A = arith.constant 0 : i32
    %cond3A_1 = arith.cmpi ne, %convert_element_type3A, %cond3A : i32
    scf.if %cond3A_1 {
      %broadcast_in_dim3A_45 = arith.constant 0x7F800000 : f32
      %broadcast_in_dim3A_46 = vector.broadcast %broadcast_in_dim3A_45 : f32 to vector<1x1024xf32>
      %swap3A_47 = arith.constant 0 : index
      %swap3A_48 = arith.constant 0 : index
      %swap3A_49 = vector.load %arg4[%swap3A_47, %swap3A_48] : memref<1x1024xf32, #tpu.memory_space<vmem>>, vector<1x1024xf32>
      tpu.vector_store %arg4[%swap3A_47, %swap3A_48], %broadcast_in_dim3A_46 {strides = array<i32>} : memref<1x1024xf32, #tpu.memory_space<vmem>>, vector<1x1024xf32>,
      %broadcast_in_dim3A_50 = arith.constant 0 : i32
      %broadcast_in_dim3A_51 = vector.broadcast %broadcast_in_dim3A_50 : i32 to vector<1x1024xi32>
      %swap3A_52 = arith.constant 0 : index
      %swap3A_53 = arith.constant 0 : index
      %swap3A_54 = vector.load %arg5[%swap3A_52, %swap3A_53] : memref<1x1024xi32, #tpu.memory_space<vmem>>, vector<1x1024xi32>
      tpu.vector_store %arg5[%swap3A_52, %swap3A_53], %broadcast_in_dim3A_51 {strides = array<i32>} : memref<1x1024xi32, #tpu.memory_space<vmem>>, vector<1x1024xi32>,
    } else {
    }
    %get3A = arith.constant 0 : index
    %get3A_2 = arith.constant 0 : index
    %get3A_3 = vector.load %arg1[%get3A, %get3A_2] : memref<1024x512xf32, #tpu.memory_space<vmem>>, vector<1024x512xf32>
    %get3A_4 = arith.constant 0 : index
    %get3A_5 = arith.constant 0 : index
    %get3A_6 = vector.load %arg2[%get3A_4, %get3A_5] : memref<2048x512xf32, #tpu.memory_space<vmem>>, vector<2048x512xf32>
    %mul3A = arith.mulf %get3A_6, %get3A_6 : vector<2048x512xf32>
    %reduce_sum3A = arith.constant dense<0.000000e+00> : vector<2048xf32>
    %reduce_sum3A_7 = vector.multi_reduction <add>, %mul3A, %reduce_sum3A [1] : vector<2048x512xf32> to vector<2048xf32>
    %broadcast_in_dim3A = vector.shape_cast %reduce_sum3A_7 : vector<2048xf32> to vector<2048x1xf32>
    %dot_general3A = arith.constant dense<0.000000e+00> : vector<2048x1024xf32>
    %dot_general3A_8 = tpu.matmul %get3A_6, %get3A_3, %dot_general3A {dimension_numbers = #tpu.dot_dimension_numbers<[1], [1], [0], [0], [0, 0, 1, 0], [], []>, transpose_lhs_hint = false} : vector<2048x512xf32>, vector<1024x512xf32>, vector<2048x1024xf32> -> vector<2048x1024xf32>
    %mul3A_9 = arith.constant 2.000000e+00 : f32
    %mul3A_10 = vector.broadcast %mul3A_9 : f32 to vector<2048x1024xf32>
    %mul3A_11 = arith.mulf %mul3A_10, %dot_general3A_8 : vector<2048x1024xf32>
    %sub3A = vector.broadcast %broadcast_in_dim3A : vector<2048x1xf32> to vector<2048x1024xf32>
    %sub3A_12 = arith.subf %sub3A, %mul3A_11 : vector<2048x1024xf32>
    %reduce_min3A = arith.constant dense<0x7F800000> : vector<1024xf32>
    %reduce_min3A_13 = vector.multi_reduction <minimumf>, %sub3A_12, %reduce_min3A [0] : vector<2048x1024xf32> to vector<1024xf32>
    %broadcast_in_dim3A_14 = vector.shape_cast %reduce_min3A_13 : vector<1024xf32> to vector<1x1024xf32>
    %iota3A = tpu.iota {dimensions = array<i32: 0>} : vector<2048x1024xi32>
    %mul3A_15 = arith.constant 2048 : i32
    %mul3A_16 = arith.muli %arg0, %mul3A_15 : i32
    %add3A = vector.broadcast %mul3A_16 : i32 to vector<2048x1024xi32>
    %add3A_17 = arith.addi %iota3A, %add3A : vector<2048x1024xi32>
    %eq3A_18 = vector.broadcast %broadcast_in_dim3A_14 : vector<1x1024xf32> to vector<2048x1024xf32>
    %eq3A_19 = arith.cmpf oeq, %sub3A_12, %eq3A_18 : vector<2048x1024xf32>
    %jit3A = arith.constant 1073741824 : i32
    %broadcast_in_dim3A_20 = vector.broadcast %jit3A : i32 to vector<2048x1024xi32>
    %select_n3A = arith.select %eq3A_19, %add3A_17, %broadcast_in_dim3A_20 : vector<2048x1024xi1>, vector<2048x1024xi32>
    %reduce_min3A_21 = arith.constant dense<2147483647> : vector<1024xi32>
    %reduce_min3A_22 = vector.multi_reduction <minsi>, %select_n3A, %reduce_min3A_21 [0] : vector<2048x1024xi32> to vector<1024xi32>
    %broadcast_in_dim3A_23 = vector.shape_cast %reduce_min3A_22 : vector<1024xi32> to vector<1x1024xi32>
    %get3A_24 = arith.constant 0 : index
    %get3A_25 = arith.constant 0 : index
    %get3A_26 = vector.load %arg4[%get3A_24, %get3A_25] : memref<1x1024xf32, #tpu.memory_space<vmem>>, vector<1x1024xf32>
    %lt3A = arith.cmpf olt, %broadcast_in_dim3A_14, %get3A_26 : vector<1x1024xf32>
    %get3A_27 = arith.constant 0 : index
    %get3A_28 = arith.constant 0 : index
    %get3A_29 = vector.load %arg4[%get3A_27, %get3A_28] : memref<1x1024xf32, #tpu.memory_space<vmem>>, vector<1x1024xf32>
    %select_n3A_30 = arith.select %lt3A, %broadcast_in_dim3A_14, %get3A_29 : vector<1x1024xi1>, vector<1x1024xf32>
    %swap3A = arith.constant 0 : index
    %swap3A_31 = arith.constant 0 : index
    %swap3A_32 = vector.load %arg4[%swap3A, %swap3A_31] : memref<1x1024xf32, #tpu.memory_space<vmem>>, vector<1x1024xf32>
    tpu.vector_store %arg4[%swap3A, %swap3A_31], %select_n3A_30 {strides = array<i32>} : memref<1x1024xf32, #tpu.memory_space<vmem>>, vector<1x1024xf32>,
    %get3A_33 = arith.constant 0 : index
    %get3A_34 = arith.constant 0 : index
    %get3A_35 = vector.load %arg5[%get3A_33, %get3A_34] : memref<1x1024xi32, #tpu.memory_space<vmem>>, vector<1x1024xi32>
    %select_n3A_36 = arith.select %lt3A, %broadcast_in_dim3A_23, %get3A_35 : vector<1x1024xi1>, vector<1x1024xi32>
    %swap3A_37 = arith.constant 0 : index
    %swap3A_38 = arith.constant 0 : index
    %swap3A_39 = vector.load %arg5[%swap3A_37, %swap3A_38] : memref<1x1024xi32, #tpu.memory_space<vmem>>, vector<1x1024xi32>
    tpu.vector_store %arg5[%swap3A_37, %swap3A_38], %select_n3A_36 {strides = array<i32>} : memref<1x1024xi32, #tpu.memory_space<vmem>>, vector<1x1024xi32>,
    %eq3A_40 = arith.constant 7 : i32
    %eq3A_41 = arith.cmpi eq, %arg0, %eq3A_40 : i32
    %convert_element_type3A_42 = arith.extui %eq3A_41 : i1 to i32
    %cond3A_43 = arith.constant 0 : i32
    %cond3A_44 = arith.cmpi ne, %convert_element_type3A_42, %cond3A_43 : i32
    scf.if %cond3A_44 {
      %get3A_45 = arith.constant 0 : index
      %get3A_46 = arith.constant 0 : index
      %get3A_47 = vector.load %arg5[%get3A_45, %get3A_46] : memref<1x1024xi32, #tpu.memory_space<vmem>>, vector<1x1024xi32>
      %swap3A_48 = arith.constant 0 : index
      %swap3A_49 = arith.constant 0 : index
      %swap3A_50 = vector.load %arg3[%swap3A_48, %swap3A_49] : memref<1x1024xi32, #tpu.memory_space<vmem>>, vector<1x1024xi32>
      tpu.vector_store %arg3[%swap3A_48, %swap3A_49], %get3A_47 {strides = array<i32>} : memref<1x1024xi32, #tpu.memory_space<vmem>>, vector<1x1024xi32>,
    } else {
    }
    return
  }
  func.func @transform_0(%arg0: i32) -> (i32, i32) {
    %c0_i32 = arith.constant 0 : i32
    %c0_i32_0 = arith.constant 0 : i32
    %c0_i32_1 = arith.constant 0 : i32
    return %c0_i32, %c0_i32_0 : i32, i32
  }
  func.func @transform_1(%arg0: i32) -> (i32, i32) {
    %c0_i32 = arith.constant 0 : i32
    %c0_i32_0 = arith.constant 0 : i32
    return %arg0, %c0_i32 : i32, i32
  }
  func.func @transform_2(%arg0: i32) -> (i32, i32) {
    %c0_i32 = arith.constant 0 : i32
    %c0_i32_0 = arith.constant 0 : i32
    %c0_i32_1 = arith.constant 0 : i32
    return %c0_i32, %c0_i32_0 : i32, i32
  }
}

</mosaic_0001>

<sc_bundles>
// kernel: kernel.4.cloned.1.call-start
scs
__scs_entry_jumppad:
0x0: {  	(pc) =	sbr.rel $0x88, $3  }
0x1: {  	(tag) =	ssettag $0x0;
	lr =	simm.s32 $0x1  }
0x2: {  	[smem:$0x3F9E] =	sst lr;
	_ =	strace $0xD0000000  }
0x3: {  	_ = 	snop  }
0x4: {  	_ = 	snop  }
0x5: {  	_ = 	snop  }
0x6: {  	_ = 	snop  }
0x7: {  	_ = 	snop  }
__scs_overlays_trampoline_lowered:
0x8: {  	[smem:$0x3FAD] =	sst s0  }
0x9: {  	[smem:$0x3FAE] =	sst s1  }
0xa: {  	[smem:$0x3FAF] =	sst s2  }
0xb: {  	[smem:$0x3FB0] =	sst s3  }
0xc: {  	[smem:$0x3FB1] =	sst s4  }
0xd: {  	[smem:$0x3FB2] =	sst s5  }
0xe: {  	[smem:$0x3FB3] =	sst s6  }
0xf: {  	[smem:$0x3FB4] =	sst s7  }
0x10: {  	[smem:$0x3FB5] =	sst s8  }
0x11: {  	[smem:$0x3FB6] =	sst s9;
	s0 =	simm.s32 @!p0 $0x0  }
0x12: {  	s1 =	sld [smem:$0x3F9C];
	s0 =	simm.s32 @p0 $0x1  }
0x13: {  	[smem:$0x3FB7] =	sst s0;
	s0 =	simm.s32 @!p1 $0x0  }
0x14: {  	s2 =	sld [smem:$0x3F9B];
	s0 =	simm.s32 @p1 $0x1  }
0x15: {  	[smem:$0x3FB8] =	sst s0;
	s0 =	simm.s32 @!p2 $0x0  }
0x16: {  	s3 =	sld [smem:$0x3FDB];
	s0 =	simm.s32 @p2 $0x1  }
0x17: {  	s4 =	simm.s32 $0x1BF5;
	[smem:$0x3FBA] =	sst s0  }
0x18: {  	s0 =	sld [smem:$0x3F9D];
	_ =	swait.ge [sflag:s4], $0x0  }
0x19: {  	s7 =	sld [smem:$0x3F9E]  }
0x1a: {  	s8 =	sadd.s32 $0xFFFFE003, lr  }
0x1b: {  	s9 =	sadd.s32 $0xFFFFFEF7, lr;
	s5 =	simm.s32 $0xFFFFFFFF;
	p2 =	slt.u32 s8, $0xFFFFF086  }
0x1c: {  	p1 =	slt.u32 s9, $0xF7A;
	s5 =	simm.s32 @!p2 $0x0  }
0x1d: {  	s5 =	simm.s32 @p1 $0x1;
	p0 =	seq.s32 s7, s2  }
0x1e: {  	s7 =	smul.u32 @!p0 $0xF7A, s2;
	p2 =	seq.s32 @!p0 s5, $0x0  }
0x1f: {  	s9 =	smul.u32 $0xF7A, s1;
	s8 =	simm.s32 @!p0 $0x1BF5;
	p2 =	por !p2, p0  }
0x20: {  	[sflag:s8] =	ssyncset.s32 @!p0 $0xFFFFF086;
	s6 =	sadd.s32 @!p0 s3, s7;
	s7 =	simm.s32 @!p0 $0x108  }
0x21: {  	s3 =	sadd.s32 s3, s9;
	s6 =	sadd.s32 @!p0 $0x88, s6;
	s7 =	simm.s32 @p2 $0x1082  }
0x22: {  	[simem:s7], [sflag:s8] =	dma.local @!p0 [hbm:s6], $0xF7A  }
0x23: {  	s9 =	sor.u32 $0xD0000000, s2;
	s6 =	simm.s32 $0x108;
	_ =	swait.ge @!p0 [sflag:s8], $0x0  }
0x24: {  	s3 =	sadd.s32 $0x88, s3;
	s6 =	simm.s32 @!p1 $0x1082;
	[sflag:s4] =	ssyncset.s32 $0xFFFFF086  }
0x25: {  	[simem:s6], [sflag:s4] =	dma.local [hbm:s3], $0xF7A  }
0x26: {  	[smem:$0x3F9E] =	sst s1;
	(tag) =	ssettag s2;
	_ =	strace s9  }
0x27: {  	s1 =	sld [smem:$0x3FAE]  }
0x28: {  	s2 =	sld [smem:$0x3FAF]  }
0x29: {  	s4 =	sld [smem:$0x3FB1]  }
0x2a: {  	p0 =	seq.s32 s5, $0x0;
	s5 =	sld [smem:$0x3FB2]  }
0x2b: {  	s6 =	sld [smem:$0x3FB3]  }
0x2c: {  	s7 =	sld [smem:$0x3FB4]  }
0x2d: {  	s3 =	simm.s32 $0x108;
	s8 =	sld [smem:$0x3FB5]  }
0x2e: {  	s3 =	simm.s32 @!p0 $0x1082;
	s9 =	sld [smem:$0x3FB6]  }
0x2f: {  	lr =	sadd.s32 s0, s3;
	s0 =	sld [smem:$0x3FAD]  }
0x30: {  	s3 =	sld [smem:$0x3FB0]  }
0x31: {  	[smem:$0x3FB9] =	sst s10  }
0x32: {  	s10 =	sld [smem:$0x3FB7];
	_ =	sdelay $0x3  }
0x33: {  	p0 =	seq.s32 s10, $0x1;
	s10 =	sld [smem:$0x3FB9];
	_ =	sdelay $0x3  }
0x34: {  	[smem:$0x3FB9] =	sst s10  }
0x35: {  	s10 =	sld [smem:$0x3FB8];
	_ =	sdelay $0x3  }
0x36: {  	p1 =	seq.s32 s10, $0x1;
	s10 =	sld [smem:$0x3FB9];
	_ =	sdelay $0x3  }
0x37: {  	[smem:$0x3FB9] =	sst s10  }
0x38: {  	s10 =	sld [smem:$0x3FBA]  }
0x39: {  	_ = 	snop;
	(pc) =	sbr.ind lr, $3  }
0x3a: {  	_ = 	snop  }
0x3b: {  	_ = 	snop  }
0x3c: {  	p2 =	seq.s32 s10, $0x1;
	s10 =	sld [smem:$0x3FB9]  }
0x3d: {  	_ =	shalt  }
0x3e: {  	_ =	shalt  }
0x3f: {  	_ =	shalt  }
0x40: {  	_ =	shalt  }
0x41: {  	_ =	shalt  }
0x42: {  	_ =	shalt  }
0x43: {  	_ =	shalt  }
0x44: {  	_ =	shalt  }
0x45: {  	_ =	shalt  }
0x46: {  	_ =	shalt  }
0x47: {  	_ =	shalt  }
0x48: {  	_ =	shalt  }
0x49: {  	_ =	shalt  }
0x4a: {  	_ =	shalt  }
0x4b: {  	_ =	shalt  }
0x4c: {  	_ =	shalt  }
0x4d: {  	_ =	shalt  }
0x4e: {  	_ =	shalt  }
0x4f: {  	_ =	shalt  }
0x50: {  	_ =	shalt  }
0x51: {  	_ =	shalt  }
0x52: {  	_ =	shalt  }
0x53: {  	_ =	shalt  }
0x54: {  	_ =	shalt  }
0x55: {  	_ =	shalt  }
0x56: {  	_ =	shalt  }
0x57: {  	_ =	shalt  }
0x58: {  	_ =	shalt  }
0x59: {  	_ =	shalt  }
0x5a: {  	_ =	shalt  }
0x5b: {  	_ =	shalt  }
0x5c: {  	_ =	shalt  }
0x5d: {  	_ =	shalt  }
0x5e: {  	_ =	shalt  }
0x5f: {  	_ =	shalt  }
0x60: {  	_ =	shalt  }
0x61: {  	_ =	shalt  }
0x62: {  	_ =	shalt  }
0x63: {  	_ =	shalt  }
0x64: {  	_ =	shalt  }
0x65: {  	_ =	shalt  }
0x66: {  	_ =	shalt  }
0x67: {  	_ =	shalt  }
0x68: {  	_ =	shalt  }
0x69: {  	_ =	shalt  }
0x6a: {  	_ =	shalt  }
0x6b: {  	_ =	shalt  }
0x6c: {  	_ =	shalt  }
0x6d: {  	_ =	shalt  }
0x6e: {  	_ =	shalt  }
0x6f: {  	_ =	shalt  }
0x70: {  	_ =	shalt  }
0x71: {  	_ =	shalt  }
0x72: {  	_ =	shalt  }
0x73: {  	_ =	shalt  }
0x74: {  	_ =	shalt  }
0x75: {  	_ =	shalt  }
0x76: {  	_ =	shalt  }
0x77: {  	_ =	shalt  }
0x78: {  	_ =	shalt  }
0x79: {  	_ =	shalt  }
0x7a: {  	_ =	shalt  }
0x7b: {  	_ =	shalt  }
0x7c: {  	_ =	shalt  }
0x7d: {  	_ =	shalt  }
0x7e: {  	_ =	shalt  }
0x7f: {  	_ =	shalt  }
0x80: {  	_ =	shalt  }
0x81: {  	_ =	shalt  }
0x82: {  	_ =	shalt  }
0x83: {  	_ =	shalt  }
0x84: {  	_ =	shalt  }
0x85: {  	_ =	shalt  }
0x86: {  	_ =	shalt  }
0x87: {  	_ =	shalt  }
.Lfunc_end0:
.L_simem_size_0:
called_computation_lowered:
.L_overlay_start_0:
0x88: {  	s2 =	sld [smem:$0x3FD9]  }
0x89: {  	s3 =	sld [smem:$0x3FFE];
	_ =	sdelay $0x1  }
0x8a: {  	s1 =	srdreg.scid  }
0x8b: {  	s0 =	sand.u32 $0x1, s1  }
0x8c: {  	s17 =	sshll.u32 s0, $0xA;
	s2 =	sadd.s32 s3, s2  }
0x8d: {  	s2 =	sadd.s32 s2, s17  }
0x8e: {  	[smem:$0x3FC5] =	sst s2  }
0x8f: {  	_ = 	snop  }
0x90: {  	s2 =	sld [smem:$0x3FD0];
	(tm) =	ssettm $0x1  }
0x91: {  	s18 =	sld [smem:$0x3FFB];
	_ =	sdelay $0x3  }
0x92: {  	_ =	strace s18  }
0x93: {  	s3 =	sld [smem:$0x3FFC];
	_ =	sdelay $0x3  }
0x94: {  	_ =	strace s3  }
0x95: {  	s3 =	sld [smem:$0x3FFD];
	_ =	sdelay $0x3  }
0x96: {  	_ =	strace s3  }
0x97: {  	_ =	strace $0x8FFFFFFF  }
0x98: {  	s19 =	sld [smem:$0x3FDB];
	_ =	sdelay $0x1  }
0x99: {  	s4 =	simm.s32 $_scs_section_size  }
0x9a: {  	s5 =	simm.s32 $_size__tile_overlayer_lowered;
	s6 =	simm.s32 $_tile_overlayer_lowered  }
0x9b: {  	s22 =	simm.s32 $0x1BFF;
	s21 =	sshll.u32 s6, $0x1;
	s3 =	sadd.s32 s4, s19  }
0x9c: {  	s7 =	simm.s32 $0x0;
	s20 =	sshll.u32 s5, $0x1;
	s5 =	sadd.s32 s21, s3  }
0x9d: {  	[timem:s7], [sflag:s22] =	dma.local [hbm:s5], s20  }
0x9e: {  	_ =	swait.ge [sflag:s22], s20  }
0x9f: {  	s4 =	ssub.s32 $0x0, s20;
	[sflag:s22] =	ssyncset.done $0x0  }
0xa0: {  	[sflag:s22] =	ssyncadd.s32 s4;
	_ =	sdelay $0x1  }
0xa1: {  	s23 =	simm.s32 $0x1B8B  }
0xa2: {  	_ =	swait.ge [sflag:s23], $0x1  }
0xa3: {  	[sflag:s23] =	ssyncset.done $0x0  }
0xa4: {  	s25 =	simm.s32 $0x1B8E;
	s24 =	sld [smem:$0x3FFE];
	[sflag:s23] =	ssyncadd.s32 $0xFFFFFFFF  }
0xa5: {  	s26 =	simm.s32 $execute0_lowered;
	[smem:$0x3FD2] =	sst s25  }
0xa6: {  	s5 =	sshll.u32 s26, $0x1;
	_ =	strace $0x80000046;
	[dreg:$0x1] =	wrdreg $0xFFFFFFFF  }
0xa7: {  	s28 =	simm.s32 $_size_execute0_lowered;
	s3 =	sadd.s32 s3, s5;
	[dreg:$0x0] =	wrdreg $0x0  }
0xa8: {  	s5 =	sshll.u32 s28, $0x1;
	[dreg:$0x2] =	wrdreg s3  }
0xa9: {  	[dreg:$0x3] =	wrdreg s5  }
0xaa: {  	[dreg:$0x4] =	wrdreg $0xC0  }
0xab: {  	_ =	task [dreg:s7], $0x5FFFF  }
0xac: {  	[dreg:$0x1] =	wrdreg $0xFFFFFFFF  }
0xad: {  	[dreg:$0x0] =	wrdreg $0x60  }
0xae: {  	[dreg:$0x2] =	wrdreg s24  }
0xaf: {  	[dreg:$0x3] =	wrdreg s2  }
0xb0: {  	[dreg:$0x4] =	wrdreg $0x9  }
0xb1: {  	_ =	task.clear_ibuf [dreg:s7], $0x5FFFF;
	_ =	strace $0x90000046  }
0xb2: {  	s29 =	simm.s32 $0x9;
	_ =	strace $0x80000048  }
0xb3: {  	_ =	swait.ge [sflag:s29], $0x1  }
0xb4: {  	[sflag:s29] =	ssyncadd.s32 $0xFFFFFFFF  }
0xb5: {  	_ =	strace $0x90000048  }
0xb6: {  	_ =	sfence  }
0xb7: {  	s30 =	sld [smem:$0x0];
	_ =	sdelay $0x2  }
0xb8: {  	s31 =	sshll.u32 s1, $0xD;
	s1 =	sshrl.u32 s1, $0x2  }
0xb9: {  	s3 =	sand.u32 $0x4000, s31;
	s1 =	sadd.s32 s1, s30  }
0xba: {  	s0 =	sor.u32 s3, s0;
	s1 =	sshll.u32 s1, $0x11  }
0xbb: {  	s0 =	sor.u32 s1, s0  }
0xbc: {  	s0 =	sadd.s32 $0x8F2B, s0  }
0xbd: {  	[sflag:s0] =	ssyncadd.remote.s32 $0x1  }
0xbe: {  	_ =	sfence.sel $0xFFFF  }
0xbf: {  	[dreg:$0x0] =	wrdreg $0xFFFFFFFF;
	(pc) =	sbr.abs _section_cstart, $3  }
0xc0: {  	[dreg:$0x1] =	wrdreg $0xFFFFFFFF  }
0xc1: {  	_ =	task.clear_ibuf [dreg:s7], $0x2FFFF;
	_ =	strace $0x9FFFFFFF  }
0xc2: {  	(tm) =	ssettm $0x7FFFFFFF  }
0xc3: {  	_ =	shalt  }
tec
execute0_lowered:
.L_overlay_start_1:
0x0: {  	(tag) =	ssettag $0x1  }
0x1: {  	s4 =	rddreg [dreg:$0x0]  }
0x2: {  	s5 =	rddreg [dreg:$0x1]  }
0x3: {  	s0 =	rddreg [dreg:$0x2]  }
0x4: {  	s3 =	srdreg.scid;
	s2 =	simm.s32 $0x0;
	s1 =	stileid.u32  }
0x5: {  	s9 =	simm.s32 $0x80;
	s10 =	simm.s32 $0x1;
	s11 =	simm.s32 $0x0  }
0x6: {  	s6 =	sand.u32 $0x1, s3;
	[smem:$0x7FF] =	sst s2;
	s30 =	sshll.u32 s1, $0x6  }
0x7: {  	s3 =	sadd.s32 $0x800, s4;
	s7 =	sshll.u32 s6, $0x5;
	s6 =	ssub.s32 $0x2, s6  }
0x8: {  	_ =	strace $0x80000047;
	s7 =	sor.u32 s7, s30;
	s31 =	sshrl.u32 s6, $0x1  }
0x9: {  	s8 =	sshll.u32 s7, $0x4;
	s7 =	sshrl.u32 s7, $0x3;
	s6 =	ssub.s32 s6, s31  }
0xa: {  	s8 =	sadd.s32 s8, s4;
	s4 =	sadd.s32 s5, s7;
	s6 =	smax.u32 s6, $0x1  }
0xb: {  	s7 =	simm.s32 $0x2;
	s5 =	sadd.s32 $0x40800, s8;
	s8 =	simm.s32 $0x20  }
.LBB2_1:
0xc: {  	[tilespmem:s2], [sflag:$0x2] =	stream.linear.gather [hbm4b:s4+s2], $0x20, $0x38;
	[tilespmem:$0x1080] =	vst v63  }
0xd: {  	_ =	swait.ge [sflag:s7], $0x20  }
0xe: {  	[sflag:s7] =	ssyncset.done $0x0  }
0xf: {  	[sflag:s7] =	ssyncadd.s32 $0xFFFFFFE0  }
0x10: {  	[tilespmem:s9], [sflag:$0x1] =	stream.indirect.gather [hbm4b:s3+s8], $0x80, s2, s8, $0xb8;
	[tilespmem:$0x1080] =	vst v63  }
0x11: {  	_ =	swait.ge [sflag:s10], $0x1000  }
0x12: {  	[sflag:s10] =	ssyncset.done $0x0  }
0x13: {  	s12 =	simm.s32 $0x0;
	[sflag:s10] =	ssyncadd.s32 $0xFFFFF000  }
0x14: {  	v0 =	vld [tilespmem:s12+$0x90]  }
0x15: {  	v1 =	vld [tilespmem:s12+$0x80]  }
0x16: {  	v2 =	vld [tilespmem:s12+$0xA0]  }
0x17: {  	v3 =	vld [tilespmem:s12+$0xB0]  }
0x18: {  	v4 =	vld [tilespmem:s12+$0xC0]  }
0x19: {  	v5 =	vld [tilespmem:s12+$0xD0]  }
0x1a: {  	v6 =	vld [tilespmem:s12+$0xE0];
	v7 =	vmax.f32 v1, v0  }
0x1b: {  	v8 =	vld [tilespmem:s12+$0xF0];
	v7 =	vmax.f32 v7, v2  }
0x1c: {  	v7 =	vmax.f32 v7, v3  }
0x1d: {  	v7 =	vmax.f32 v7, v4  }
0x1e: {  	v7 =	vmax.f32 v7, v5  }
0x1f: {  	v7 =	vmax.f32 v7, v6  }
0x20: {  	v7 =	vmax.f32 v7, v8  }
0x21: {  	(xrf0) =	vmax.scan.msk.f32 $0xffff, v7;
	_ =	sdelay $0x5  }
0x22: {  	v7, _, _ =	vpop (xrf0)  }
0x23: {  	v7 =	vbroadcast v7, $0xF;
	_ =	sdelay $0x1  }
0x24: {  	v1 =	vsub.f32 v1, v7  }
0x25: {  	v0 =	vsub.f32 v0, v7  }
0x26: {  	v2 =	vsub.f32 v2, v7;
	v1 =	vmul.f32 $1.442695020e+00, v1  }
0x27: {  	v0 =	vmul.f32 $1.442695020e+00, v0  }
0x28: {  	(erf) = vpow2.f32 v1;
	v1 =	vmul.f32 $1.442695020e+00, v2;
	v2 =	vsub.f32 v3, v7  }
0x29: {  	(erf) = vpow2.f32 v0  }
0x2a: {  	v0 =	vmul.f32 $1.442695020e+00, v2;
	v2 =	vsub.f32 v4, v7  }
0x2b: {  	(erf) = vpow2.f32 v1  }
0x2c: {  	v1 =	vmul.f32 $1.442695020e+00, v2;
	v2 =	vsub.f32 v5, v7  }
0x2d: {  	(erf) = vpow2.f32 v0  }
0x2e: {  	v0 =	vmul.f32 $1.442695020e+00, v2;
	v2 =	vsub.f32 v6, v7  }
0x2f: {  	(erf) = vpow2.f32 v1  }
0x30: {  	v1 =	vmul.f32 $1.442695020e+00, v2;
	v2 =	vsub.f32 v8, v7  }
0x31: {  	v3 =	vpop (erf);
	(erf) = vpow2.f32 v0  }
0x32: {  	v0 =	vpop (erf);
	v2 =	vmul.f32 $1.442695020e+00, v2  }
0x33: {  	(erf) = vpow2.f32 v1;
	v4 =	vadd.f32 v0, v3  }
0x34: {  	v1 =	vpop (erf)  }
0x35: {  	(erf) = vpow2.f32 v2;
	v4 =	vadd.f32 v4, v1  }
0x36: {  	v2 =	vpop (erf)  }
0x37: {  	v4 =	vadd.f32 v4, v2  }
0x38: {  	v5 =	vpop (erf)  }
0x39: {  	v4 =	vadd.f32 v4, v5  }
0x3a: {  	v6 =	vpop (erf)  }
0x3b: {  	v4 =	vadd.f32 v4, v6  }
0x3c: {  	v7 =	vpop (erf)  }
0x3d: {  	v4 =	vadd.f32 v4, v7  }
0x3e: {  	v63 =	vpop (erf)  }
0x3f: {  	v4 =	vadd.f32 v4, v63;
	_ =	sdelay $0x1  }
0x40: {  	(xrf2) =	vadd.scan.msk.f32 $0xffff, v4;
	_ =	sdelay $0x9  }
0x41: {  	v4, _, _ =	vpop (xrf2)  }
0x42: {  	v4 =	vbroadcast v4, $0xF;
	_ =	sdelay $0x1  }
0x43: {  	(erf) = vrcp.f32 v4;
	_ =	sdelay $0x8  }
0x44: {  	v9 =	vpop (erf)  }
0x45: {  	v3 =	vmul.f32 v9, v3  }
0x46: {  	v0 =	vmul.f32 v9, v0  }
0x47: {  	v1 =	vmul.f32 v9, v1;
	[tilespmem:s12+$0x80] =	vst v3  }
0x48: {  	s14 =	simm.s32 $0x80;
	v10 =	vmul.f32 v9, v2;
	[tilespmem:s12+$0x90] =	vst v0  }
0x49: {  	v5 =	vmul.f32 v9, v5;
	v4 =	vmul.f32 v9, v7;
	v0 =	vld [tilespmem:s14+$0x90];
	[tilespmem:s12+$0xA0] =	vst v1  }
0x4a: {  	s13 =	simm.s32 $0x400;
	v2 =	vmul.f32 v9, v63;
	v3 =	vmul.f32 v9, v6;
	v1 =	vld [tilespmem:s14+$0x80];
	[tilespmem:s12+$0xB0] =	vst v10  }
.LBB2_2:
0x4b: {  	p0 =	sne.s32 s13, $0x3E00;
	v6 =	vld [tilespmem:s14+$0xA0];
	[tilespmem:s12+$0xC0] =	vst v5  }
0x4c: {  	v5 =	vld [tilespmem:s14+$0xB0];
	[tilespmem:s12+$0xD0] =	vst v3  }
0x4d: {  	v3 =	vld [tilespmem:s14+$0xC0];
	[tilespmem:s12+$0xE0] =	vst v4  }
0x4e: {  	v4 =	vld [tilespmem:s14+$0xD0];
	[tilespmem:s12+$0xF0] =	vst v2;
	s12 =	smov.u32 s14  }
0x4f: {  	v2 =	vld [tilespmem:s12+$0xE0];
	v7 =	vmax.f32 v1, v0  }
0x50: {  	v8 =	vld [tilespmem:s12+$0xF0];
	v7 =	vmax.f32 v7, v6  }
0x51: {  	v7 =	vmax.f32 v7, v5  }
0x52: {  	v7 =	vmax.f32 v7, v3  }
0x53: {  	v7 =	vmax.f32 v7, v4  }
0x54: {  	v7 =	vmax.f32 v7, v2  }
0x55: {  	v7 =	vmax.f32 v7, v8  }
0x56: {  	(xrf0) =	vmax.scan.msk.f32 $0xffff, v7;
	_ =	sdelay $0x5  }
0x57: {  	v7, _, _ =	vpop (xrf0)  }
0x58: {  	v7 =	vbroadcast v7, $0xF;
	_ =	sdelay $0x1  }
0x59: {  	v1 =	vsub.f32 v1, v7  }
0x5a: {  	v0 =	vsub.f32 v0, v7  }
0x5b: {  	v1 =	vmul.f32 $1.442695020e+00, v1  }
0x5c: {  	v6 =	vsub.f32 v6, v7;
	v0 =	vmul.f32 $1.442695020e+00, v0  }
0x5d: {  	(erf) = vpow2.f32 v1  }
0x5e: {  	v5 =	vsub.f32 v5, v7;
	v1 =	vmul.f32 $1.442695020e+00, v6;
	(erf) = vpow2.f32 v0;
	_ =	sdelay $0x1  }
0x5f: {  	v3 =	vsub.f32 v3, v7;
	v0 =	vmul.f32 $1.442695020e+00, v5;
	(erf) = vpow2.f32 v1;
	_ =	sdelay $0x1  }
0x60: {  	v1 =	vmul.f32 $1.442695020e+00, v3;
	v3 =	vsub.f32 v4, v7;
	(erf) = vpow2.f32 v0;
	_ =	sdelay $0x1  }
0x61: {  	v2 =	vsub.f32 v2, v7;
	v4 =	vmul.f32 $1.442695020e+00, v3;
	(erf) = vpow2.f32 v1;
	_ =	sdelay $0x1  }
0x62: {  	v5 =	vmul.f32 $1.442695020e+00, v2;
	v2 =	vsub.f32 v8, v7;
	v3 =	vpop (erf);
	(erf) = vpow2.f32 v4  }
0x63: {  	v0 =	vpop (erf)  }
0x64: {  	v6 =	vmul.f32 $1.442695020e+00, v2;
	v4 =	vadd.f32 v0, v3;
	(erf) = vpow2.f32 v5  }
0x65: {  	v1 =	vpop (erf)  }
0x66: {  	v4 =	vadd.f32 v4, v1;
	(erf) = vpow2.f32 v6  }
0x67: {  	v2 =	vpop (erf)  }
0x68: {  	v4 =	vadd.f32 v4, v2  }
0x69: {  	v5 =	vpop (erf)  }
0x6a: {  	v4 =	vadd.f32 v4, v5  }
0x6b: {  	v6 =	vpop (erf)  }
0x6c: {  	v4 =	vadd.f32 v4, v6  }
0x6d: {  	v7 =	vpop (erf)  }
0x6e: {  	v4 =	vadd.f32 v4, v7  }
0x6f: {  	v8 =	vpop (erf)  }
0x70: {  	v4 =	vadd.f32 v4, v8;
	_ =	sdelay $0x1  }
0x71: {  	(xrf2) =	vadd.scan.msk.f32 $0xffff, v4;
	_ =	sdelay $0x9  }
0x72: {  	v4, _, _ =	vpop (xrf2)  }
0x73: {  	v4 =	vbroadcast v4, $0xF;
	_ =	sdelay $0x1  }
0x74: {  	(erf) = vrcp.f32 v4;
	_ =	sdelay $0x8  }
0x75: {  	v9 =	vpop (erf)  }
0x76: {  	v3 =	vmul.f32 v9, v3;
	v0 =	vmul.f32 v9, v0  }
.Ltmp0:
0x77: {  	v1 =	vmul.f32 v9, v1;
	v10 =	vmul.f32 v9, v2;
	(pc) =	sbr.rel @p0 .LBB2_2-.Ltmp0, $4  }
0x78: {  	v5 =	vmul.f32 v9, v5;
	[tilespmem:s12+$0x80] =	vst v3;
	v3 =	vmul.f32 v9, v6  }
0x79: {  	s14 =	sshra.s32 s13, $0x2;
	v4 =	vmul.f32 v9, v7;
	v2 =	vmul.f32 v9, v8;
	[tilespmem:s12+$0x90] =	vst v0  }
0x7a: {  	v0 =	vld [tilespmem:s14+$0x90];
	[tilespmem:s12+$0xA0] =	vst v1  }
0x7b: {  	s13 =	sadd.s32 $0x200, s13;
	v1 =	vld [tilespmem:s14+$0x80];
	[tilespmem:s12+$0xB0] =	vst v10  }
0x7c: {  	v6 =	vld [tilespmem:s14+$0xA0];
	[tilespmem:s12+$0xC0] =	vst v5  }
0x7d: {  	v5 =	vld [tilespmem:s14+$0xB0];
	[tilespmem:s12+$0xD0] =	vst v3  }
0x7e: {  	v3 =	vld [tilespmem:s14+$0xC0];
	[tilespmem:s12+$0xE0] =	vst v4  }
0x7f: {  	v4 =	vld [tilespmem:s14+$0xD0];
	[tilespmem:s12+$0xF0] =	vst v2  }
0x80: {  	v2 =	vld [tilespmem:s14+$0xE0];
	v7 =	vmax.f32 v1, v0  }
0x81: {  	v8 =	vld [tilespmem:s14+$0xF0];
	v7 =	vmax.f32 v7, v6  }
0x82: {  	v7 =	vmax.f32 v7, v5  }
0x83: {  	v7 =	vmax.f32 v7, v3  }
0x84: {  	v7 =	vmax.f32 v7, v4  }
0x85: {  	v7 =	vmax.f32 v7, v2  }
0x86: {  	v7 =	vmax.f32 v7, v8  }
0x87: {  	(xrf0) =	vmax.scan.msk.f32 $0xffff, v7;
	_ =	sdelay $0x5  }
0x88: {  	v7, _, _ =	vpop (xrf0)  }
0x89: {  	v7 =	vbroadcast v7, $0xF;
	_ =	sdelay $0x1  }
0x8a: {  	v42 =	vsub.f32 v1, v7  }
0x8b: {  	v43 =	vsub.f32 v0, v7  }
0x8c: {  	v1 =	vmul.f32 $1.442695020e+00, v42  }
0x8d: {  	v6 =	vsub.f32 v6, v7;
	v0 =	vmul.f32 $1.442695020e+00, v43  }
0x8e: {  	(erf) = vpow2.f32 v1  }
0x8f: {  	v5 =	vsub.f32 v5, v7;
	v44 =	vmul.f32 $1.442695020e+00, v6;
	(erf) = vpow2.f32 v0;
	_ =	sdelay $0x1  }
0x90: {  	v3 =	vsub.f32 v3, v7;
	v45 =	vmul.f32 $1.442695020e+00, v5;
	(erf) = vpow2.f32 v44;
	_ =	sdelay $0x1  }
0x91: {  	v47 =	vsub.f32 v4, v7;
	v46 =	vmul.f32 $1.442695020e+00, v3;
	(erf) = vpow2.f32 v45;
	_ =	sdelay $0x1  }
0x92: {  	v2 =	vsub.f32 v2, v7;
	v48 =	vmul.f32 $1.442695020e+00, v47;
	(erf) = vpow2.f32 v46;
	_ =	sdelay $0x1  }
0x93: {  	v50 =	vsub.f32 v8, v7;
	v49 =	vmul.f32 $1.442695020e+00, v2;
	v51 =	vpop (erf);
	(erf) = vpow2.f32 v48  }
0x94: {  	v52 =	vpop (erf)  }
0x95: {  	v2 =	vmul.f32 $1.442695020e+00, v50;
	(erf) = vpow2.f32 v49;
	v53 =	vadd.f32 v52, v51  }
0x96: {  	v54 =	vpop (erf)  }
0x97: {  	(erf) = vpow2.f32 v2;
	v4 =	vadd.f32 v53, v54  }
0x98: {  	v55 =	vpop (erf)  }
0x99: {  	v4 =	vadd.f32 v4, v55  }
0x9a: {  	v56 =	vpop (erf)  }
0x9b: {  	v4 =	vadd.f32 v4, v56  }
0x9c: {  	v57 =	vpop (erf)  }
0x9d: {  	v4 =	vadd.f32 v4, v57  }
0x9e: {  	v58 =	vpop (erf)  }
0x9f: {  	v4 =	vadd.f32 v4, v58  }
0xa0: {  	v59 =	vpop (erf)  }
0xa1: {  	v4 =	vadd.f32 v4, v59;
	_ =	sdelay $0x1  }
0xa2: {  	(xrf2) =	vadd.scan.msk.f32 $0xffff, v4;
	_ =	sdelay $0x9  }
0xa3: {  	v4, _, _ =	vpop (xrf2)  }
0xa4: {  	v4 =	vbroadcast v4, $0xF;
	_ =	sdelay $0x1  }
0xa5: {  	(erf) = vrcp.f32 v4;
	_ =	sdelay $0x8  }
0xa6: {  	v4 =	vpop (erf)  }
0xa7: {  	v3 =	vmul.f32 v4, v51  }
0xa8: {  	v0 =	vmul.f32 v4, v52  }
0xa9: {  	v1 =	vmul.f32 v4, v54;
	[tilespmem:s14+$0x80] =	vst v3  }
0xaa: {  	v2 =	vmul.f32 v4, v55;
	[tilespmem:s14+$0x90] =	vst v0  }
0xab: {  	v60 =	vmul.f32 v4, v56;
	[tilespmem:s14+$0xA0] =	vst v1  }
0xac: {  	v61 =	vmul.f32 v4, v57;
	[tilespmem:s14+$0xB0] =	vst v2  }
0xad: {  	v62 =	vmul.f32 v4, v58;
	[tilespmem:s14+$0xC0] =	vst v60  }
0xae: {  	s11 =	sadd.s32 $0x1, s11;
	v63 =	vmul.f32 v4, v59;
	[tilespmem:s14+$0xD0] =	vst v61  }
0xaf: {  	p0 =	sne.s32 s11, s6;
	[tilespmem:s14+$0xE0] =	vst v62  }
.Ltmp1:
0xb0: {  	[tilespmem:s14+$0xF0] =	vst v63;
	(pc) =	sbr.rel @p0 .LBB2_1-.Ltmp1, $4  }
0xb1: {  	[hbm4b:s5+s2] =	stream.linear.scatter [tilespmem:s9], [sflag:$0x2], $0x1000, $0x38;
	[tilespmem:$0x1080] =	vst v63  }
0xb2: {  	_ =	swait.ge [sflag:s7], $0x1000  }
0xb3: {  	[sflag:s7] =	ssyncset.done $0x0  }
0xb4: {  	[sflag:s7] =	ssyncadd.s32 $0xFFFFF000  }
0xb5: {  	_ =	sfence.sel $0x180000  }
0xb6: {  	[bflag:$0x0] =	sbarrier.arrive $0xFFFF  }
0xb7: {  	p0 =	sne.s32 s1, $0x0;
	_ =	strace $0x90000047  }
0xb8: {  	s0 =	sadd.s32 @!p0 $0x100000, s0;
	[bflag:$0x2] =	sbarrier.arrive $0xFFFF  }
0xb9: {  	[sflag:s0] =	ssyncadd.tile.s32 @!p0 $0x1;
	_ =	shalt  }
.Lfunc_end2:
_tile_overlayer_lowered:
.L_overlay_start_2:
0xba: {  	(tag) =	ssettag $0x2  }
0xbb: {  	s0 =	rddreg [dreg:$0x0];
	s2 =	stileid.u32  }
0xbc: {  	s1 =	rddreg [dreg:$0x1];
	p0 =	sne.s32 s2, $0x0  }
0xbd: {  	s3 =	rddreg [dreg:$0x2];
	[bflag:$0x3] =	sbarrier.arrive $0xFFFF;
	s2 =	simm.s32 @!p0 $0x1C02  }
0xbe: {  	[timem:s3], [sflag:s2] =	dma.local @!p0 [hbm:s0], s1  }
0xbf: {  	s0 =	simm.s32 @!p0 $0x2  }
0xc0: {  	_ =	swait.ge @!p0 [sflag:s0], s1  }
0xc1: {  	s1 =	ssub.s32 @!p0 $0x0, s1;
	[sflag:s0] =	ssyncset.done @!p0 $0x0  }
0xc2: {  	[sflag:s0] =	ssyncadd.s32 @!p0 s1  }
0xc3: {  	[bflag:$0x3] =	sbarrier.arrive $0xFFFF  }
0xc4: {  	_ =	shalt  }

</sc_bundles>
